<compile_context>
chip_gen: v7x
topology: tpu7x:2x2x1
jax: 0.10.2.dev20260603
libtpu: 0.0.44.dev20260713+nightly
codegen_flags: <defaults>
</compile_context>

<pallas_src>
import functools

import jax
import jax.numpy as jnp
from jax import lax
from jax.experimental import pallas as pl
from jax.experimental.pallas import tpu as pltpu
from jax.experimental.pallas import tpu_sc as plsc

N_ATOMS = 16384
N_STRUCT = 16
N_ELEM = 95
EMB = 64
HID = 256

BLOCK = 8192
HALF = 2048

_F32 = jnp.float32

_info = plsc.get_sparse_core_info()
_NC, _NS = _info.num_cores, _info.num_subcores
_NW = _NC * _NS
_BPW = N_ATOMS // _NW


@functools.partial(
    pl.kernel,
    mesh=plsc.VectorSubcoreMesh(core_axis_name="c", subcore_axis_name="s"),
    out_type=jax.ShapeDtypeStruct((N_ATOMS, 128), _F32),
    scratch_types=[
        pltpu.VMEM((_BPW,), jnp.int32),
        pltpu.VMEM((_BPW, 128), _F32),
        pltpu.SemaphoreType.DMA,
    ],
)
def _sc_gather(table_hbm, idx_hbm, out_hbm, idx_v, rows_v, sem):
    wid = lax.axis_index("s") * _NC + lax.axis_index("c")
    base = wid * _BPW
    pltpu.sync_copy(idx_hbm.at[pl.ds(base, _BPW)], idx_v)
    pltpu.async_copy(table_hbm.at[idx_v], rows_v, sem).wait()
    pltpu.sync_copy(rows_v, out_hbm.at[pl.ds(base, _BPW)])


def _tc_body(feat_ref, coord_ref, ind_ref, w1_ref, b1_ref,
             w2_ref, b2_ref, w3_ref, b3_ref, out_ref):
    i = pl.program_id(0)
    b1 = b1_ref[0, :]
    b2 = b2_ref[0, :]
    w1 = w1_ref[...]
    w2 = w2_ref[...]
    w3t = w3_ref[...]
    b3 = b3_ref[0, 0]

    parts = []
    for h in range(BLOCK // HALF):
        sl = pl.ds(h * HALF, HALF)
        x = jnp.concatenate([feat_ref[sl, 0:EMB], coord_ref[sl, :]], axis=1)
        h1 = jnp.tanh(jnp.dot(x, w1, preferred_element_type=_F32) + b1)
        h2 = jnp.tanh(jnp.dot(h1, w2, preferred_element_type=_F32) + b2)
        pa16 = jnp.dot(h2, w3t, preferred_element_type=_F32) + b3
        ind = ind_ref[0, 0, sl]
        seg = (jax.lax.broadcasted_iota(jnp.int32, (HALF, N_STRUCT), 1)
               == ind[:, None]).astype(_F32)
        parts.append(jnp.sum(seg * pa16, axis=0)[None, :])
    part = parts[0]
    for p in parts[1:]:
        part = part + p

    @pl.when(i == 0)
    def _first():
        out_ref[...] = part

    @pl.when(i != 0)
    def _acc():
        out_ref[...] += part


@jax.jit
def kernel(coord, elems, ind_1, elem_embed, W1, b1, W2, b2, W3, b3):
    n = coord.shape[0]
    grid = n // BLOCK
    table_pad = jnp.pad(elem_embed, ((0, 0), (0, 128 - EMB)))
    feat = _sc_gather(table_pad, elems.astype(jnp.int32))
    ind3 = ind_1.astype(jnp.int32).reshape(grid, 1, BLOCK)
    w3t = jnp.tile(W3, (1, N_STRUCT))

    out = pl.pallas_call(
        _tc_body,
        grid=(grid,),
        in_specs=[
            pl.BlockSpec((BLOCK, 128), lambda i: (i, 0)),
            pl.BlockSpec((BLOCK, 3), lambda i: (i, 0)),
            pl.BlockSpec((1, 1, BLOCK), lambda i: (i, 0, 0)),
            pl.BlockSpec((EMB + 3, HID), lambda i: (0, 0)),
            pl.BlockSpec((1, HID), lambda i: (0, 0)),
            pl.BlockSpec((HID, HID), lambda i: (0, 0)),
            pl.BlockSpec((1, HID), lambda i: (0, 0)),
            pl.BlockSpec((HID, N_STRUCT), lambda i: (0, 0)),
            pl.BlockSpec((1, 1), lambda i: (0, 0)),
        ],
        out_specs=pl.BlockSpec((1, N_STRUCT), lambda i: (0, 0)),
        out_shape=jax.ShapeDtypeStruct((1, N_STRUCT), jnp.float32),
    )(feat, coord, ind3, W1, b1.reshape(1, HID), W2,
      b2.reshape(1, HID), w3t, b3.reshape(1, 1))
    return out[0]

# --- scband reference (transcript-rebuilt; emitter-appended) ---
"""Pipeline reference for scband-pi-net-potential-torch-2576980377842 (READ-ONLY COPY).

The authoritative reference and input builder live on the scoring server;
editing this copy changes nothing except your own understanding.
"""

import jax, jax.numpy as jnp
import numpy as np

N_ATOMS = 16384
N_STRUCT = 16
N_ELEM = 95
EMB = 64
HID = 256


def setup_inputs(seed: int = 0) -> dict:
    key = jax.random.key(seed)
    ks = jax.random.split(key, 10)
    coord = jax.random.normal(ks[0], (N_ATOMS, 3), dtype=jnp.float32)
    elems = jax.random.randint(ks[1], (N_ATOMS,), 0, N_ELEM)
    ind_1 = jnp.sort(jax.random.randint(ks[2], (N_ATOMS,), 0, N_STRUCT))
    elem_embed = jax.random.normal(ks[3], (N_ELEM, EMB), dtype=jnp.float32) * 0.1
    W1 = jax.random.normal(ks[4], (EMB + 3, HID), dtype=jnp.float32) * (1.0 / np.sqrt(EMB + 3))
    b1 = jnp.zeros((HID,), dtype=jnp.float32)
    W2 = jax.random.normal(ks[5], (HID, HID), dtype=jnp.float32) * (1.0 / np.sqrt(HID))
    b2 = jnp.zeros((HID,), dtype=jnp.float32)
    W3 = jax.random.normal(ks[6], (HID, 1), dtype=jnp.float32) * (1.0 / np.sqrt(HID))
    b3 = jnp.zeros((1,), dtype=jnp.float32)
    return {
        'coord': coord,
        'elems': elems,
        'ind_1': ind_1,
        'elem_embed': elem_embed,
        'W1': W1, 'b1': b1,
        'W2': W2, 'b2': b2,
        'W3': W3, 'b3': b3,
    }


def reference(coord, elems, ind_1, elem_embed, W1, b1, W2, b2, W3, b3):
    # Per-atom energy network (surrogate PiNet with out_pool=False, out_units=1):
    # embedding lookup on atomic species, concat with coordinates, 2-hidden-layer MLP.
    feat = jnp.take(elem_embed, elems, axis=0)            # [N, EMB] gather
    h = jnp.concatenate([feat, coord], axis=-1)            # [N, EMB+3]
    h = jnp.tanh(h @ W1 + b1)                              # [N, HID]
    h = jnp.tanh(h @ W2 + b2)                              # [N, HID]
    per_atom = (h @ W3 + b3)                               # [N, 1]
    per_atom = jnp.squeeze(per_atom, axis=-1)              # [N]
    # Segment reduce: sum per-atom energies over each structure -> total energies
    E = jax.ops.segment_sum(per_atom, ind_1, num_segments=N_STRUCT)
    return E

if __name__ == "__main__":
    import jax
    _d = setup_inputs()
    print(jax.jit(kernel)(*tuple(_d.values())))

</pallas_src>

<mosaic_0001>
#map = affine_map<(d0, d1) -> (0, 0)>
#map1 = affine_map<(d0, d1) -> (0)>
module attributes {stable_mosaic.version = 14 : i64} {
  func.func @_sc_gather(%arg0: i32, %arg1: i32, %arg2: memref<95x128xf32, #tpu.memory_space<hbm>>, %arg3: memref<16384xi32, #tpu.memory_space<hbm>>, %arg4: memref<16384x128xf32, #tpu.memory_space<hbm>>, %arg5: memref<512xi32, #tpu.memory_space<vmem>>, %arg6: memref<512x128xf32, #tpu.memory_space<vmem>>, %arg7: memref<!tpu.dma_semaphore, #tpu.memory_space<semaphore_mem>>) attributes {dimension_semantics = [#tpu.dimension_semantics<core_parallel>, #tpu.dimension_semantics<subcore_parallel>], iteration_bounds = array<i64: 2, 16>, scalar_prefetch = 0 : i64, scratch_operands = 3 : i64, tpu.core_type = #tpu.core_type<sc_vector_subcore>, window_params = [{transform_indices = #map}, {transform_indices = #map1}, {transform_indices = #map}]} {
    %mul3A = arith.constant 2 : i32
    %mul3A_0 = arith.muli %arg1, %mul3A : i32
    %add3A = arith.addi %mul3A_0, %arg0 : i32
    %mul3A_1 = arith.constant 512 : i32
    %mul3A_2 = arith.muli %add3A, %mul3A_1 : i32
    "tpu.region"() ({
      %run_scoped3A = tpu.sem_alloc : memref<!tpu.dma_semaphore, #tpu.memory_space<semaphore_mem>>
      %dma_start3A_7 = tpu.memref_slice %arg3[%mul3A_2] : memref<16384xi32, #tpu.memory_space<hbm>> -> memref<512xi32, #tpu.memory_space<hbm>>
      %dma_start3A_8 = tpu.memref_slice %arg3[%mul3A_2] : memref<16384xi32, #tpu.memory_space<hbm>> -> memref<512xi32, #tpu.memory_space<hbm>>
      tpu.enqueue_dma source(%dma_start3A_8 : memref<512xi32, #tpu.memory_space<hbm>>) target(%arg5 : memref<512xi32, #tpu.memory_space<vmem>>) target_semaphore(%run_scoped3A : memref<!tpu.dma_semaphore, #tpu.memory_space<semaphore_mem>>)
      %dma_wait3A_9 = tpu.memref_slice %arg3[%mul3A_2] : memref<16384xi32, #tpu.memory_space<hbm>> -> memref<512xi32, #tpu.memory_space<hbm>>
      %dma_wait3A_10 = tpu.memref_slice %arg3[%mul3A_2] : memref<16384xi32, #tpu.memory_space<hbm>> -> memref<512xi32, #tpu.memory_space<hbm>>
      tpu.wait_dma2 semaphore(%run_scoped3A : memref<!tpu.dma_semaphore, #tpu.memory_space<semaphore_mem>>) src(%dma_wait3A_10 : memref<512xi32, #tpu.memory_space<hbm>>) dst(%arg5 : memref<512xi32, #tpu.memory_space<vmem>>)
      tpu.yield
    }) : () -> ()
    %dma_start3A = arith.constant 0 : i32
    %dma_start3A_3 = arith.constant 0 : i32
    %dma_start3A_4 = tpu.memref_slice %arg2[%dma_start3A, %dma_start3A_3] : memref<95x128xf32, #tpu.memory_space<hbm>> -> memref<95x128xf32, #tpu.memory_space<hbm>>
    tpu.enqueue_indirect_dma source(%dma_start3A_4 : memref<95x128xf32, #tpu.memory_space<hbm>>) target(%arg6 : memref<512x128xf32, #tpu.memory_space<vmem>>) offsets(%arg5 : memref<512xi32, #tpu.memory_space<vmem>>) semaphore(%arg7 : memref<!tpu.dma_semaphore, #tpu.memory_space<semaphore_mem>>)
    %dma_wait3A = arith.constant 0 : i32
    %dma_wait3A_5 = arith.constant 0 : i32
    %dma_wait3A_6 = tpu.memref_slice %arg2[%dma_wait3A, %dma_wait3A_5] : memref<95x128xf32, #tpu.memory_space<hbm>> -> memref<95x128xf32, #tpu.memory_space<hbm>>
    tpu.wait_indirect_dma semaphore(%arg7 : memref<!tpu.dma_semaphore, #tpu.memory_space<semaphore_mem>>) src(%dma_wait3A_6 : memref<95x128xf32, #tpu.memory_space<hbm>>) dst(%arg6 : memref<512x128xf32, #tpu.memory_space<vmem>>)
    "tpu.region"() ({
      %run_scoped3A = tpu.sem_alloc : memref<!tpu.dma_semaphore, #tpu.memory_space<semaphore_mem>>
      %dma_start3A_7 = arith.constant 0 : i32
      %dma_start3A_8 = tpu.memref_slice %arg4[%mul3A_2, %dma_start3A_7] : memref<16384x128xf32, #tpu.memory_space<hbm>> -> memref<512x128xf32, #tpu.memory_space<hbm>>
      %dma_start3A_9 = arith.constant 0 : i32
      %dma_start3A_10 = tpu.memref_slice %arg4[%mul3A_2, %dma_start3A_9] : memref<16384x128xf32, #tpu.memory_space<hbm>> -> memref<512x128xf32, #tpu.memory_space<hbm>>
      tpu.enqueue_dma source(%arg6 : memref<512x128xf32, #tpu.memory_space<vmem>>) target(%dma_start3A_10 : memref<512x128xf32, #tpu.memory_space<hbm>>) target_semaphore(%run_scoped3A : memref<!tpu.dma_semaphore, #tpu.memory_space<semaphore_mem>>)
      %dma_wait3A_11 = arith.constant 0 : i32
      %dma_wait3A_12 = tpu.memref_slice %arg4[%mul3A_2, %dma_wait3A_11] : memref<16384x128xf32, #tpu.memory_space<hbm>> -> memref<512x128xf32, #tpu.memory_space<hbm>>
      %dma_wait3A_13 = arith.constant 0 : i32
      %dma_wait3A_14 = tpu.memref_slice %arg4[%mul3A_2, %dma_wait3A_13] : memref<16384x128xf32, #tpu.memory_space<hbm>> -> memref<512x128xf32, #tpu.memory_space<hbm>>
      tpu.wait_dma2 semaphore(%run_scoped3A : memref<!tpu.dma_semaphore, #tpu.memory_space<semaphore_mem>>) src(%arg6 : memref<512x128xf32, #tpu.memory_space<vmem>>) dst(%dma_wait3A_14 : memref<512x128xf32, #tpu.memory_space<hbm>>)
      tpu.yield
    }) : () -> ()
    return
  }
}

module attributes {stable_mosaic.version = 14 : i64} {
  func.func @_tc_body(%arg0: i32, %arg1: memref<8192x128xf32, #tpu.memory_space<vmem>>, %arg2: memref<8192x3xf32, #tpu.memory_space<vmem>>, %arg3: memref<1x1x8192xi32, #tpu.memory_space<vmem>>, %arg4: memref<67x256xf32, #tpu.memory_space<vmem>>, %arg5: memref<1x256xf32, #tpu.memory_space<vmem>>, %arg6: memref<256x256xf32, #tpu.memory_space<vmem>>, %arg7: memref<1x256xf32, #tpu.memory_space<vmem>>, %arg8: memref<256x16xf32, #tpu.memory_space<vmem>>, %arg9: memref<1x1xf32, #tpu.memory_space<vmem>>, %arg10: memref<1x16xf32, #tpu.memory_space<vmem>>) attributes {dimension_semantics = [#tpu.dimension_semantics<arbitrary>], iteration_bounds = array<i64: 2>, scalar_prefetch = 0 : i64, scratch_operands = 0 : i64, tpu.core_type = #tpu.core_type<tc>, window_params = [{transform_indices = @transform_0, window_bounds = array<i64: 8192, 128>}, {transform_indices = @transform_1, window_bounds = array<i64: 8192, 3>}, {transform_indices = @transform_2, window_bounds = array<i64: 1, 1, 8192>}, {pipeline_mode = #tpu.pipeline_mode<synchronous>, transform_indices = @transform_3, window_bounds = array<i64: 67, 256>}, {pipeline_mode = #tpu.pipeline_mode<synchronous>, transform_indices = @transform_4, window_bounds = array<i64: 1, 256>}, {pipeline_mode = #tpu.pipeline_mode<synchronous>, transform_indices = @transform_5, window_bounds = array<i64: 256, 256>}, {pipeline_mode = #tpu.pipeline_mode<synchronous>, transform_indices = @transform_6, window_bounds = array<i64: 1, 256>}, {pipeline_mode = #tpu.pipeline_mode<synchronous>, transform_indices = @transform_7, window_bounds = array<i64: 256, 16>}, {pipeline_mode = #tpu.pipeline_mode<synchronous>, transform_indices = @transform_8, window_bounds = array<i64: 1, 1>}, {pipeline_mode = #tpu.pipeline_mode<synchronous>, transform_indices = @transform_9, window_bounds = array<i64: 1, 16>}]} {
    %get3A = arith.constant 0 : index
    %get3A_0 = arith.constant 0 : index
    %get3A_1 = vector.load %arg5[%get3A, %get3A_0] : memref<1x256xf32, #tpu.memory_space<vmem>>, vector<1x256xf32>
    %get3A_2 = vector.shape_cast %get3A_1 : vector<1x256xf32> to vector<256xf32>
    %get3A_3 = arith.constant 0 : index
    %get3A_4 = arith.constant 0 : index
    %get3A_5 = vector.load %arg7[%get3A_3, %get3A_4] : memref<1x256xf32, #tpu.memory_space<vmem>>, vector<1x256xf32>
    %get3A_6 = vector.shape_cast %get3A_5 : vector<1x256xf32> to vector<256xf32>
    %get3A_7 = arith.constant 0 : index
    %get3A_8 = arith.constant 0 : index
    %get3A_9 = vector.load %arg4[%get3A_7, %get3A_8] : memref<67x256xf32, #tpu.memory_space<vmem>>, vector<67x256xf32>
    %get3A_10 = arith.constant 0 : index
    %get3A_11 = arith.constant 0 : index
    %get3A_12 = vector.load %arg6[%get3A_10, %get3A_11] : memref<256x256xf32, #tpu.memory_space<vmem>>, vector<256x256xf32>
    %get3A_13 = arith.constant 0 : index
    %get3A_14 = arith.constant 0 : index
    %get3A_15 = vector.load %arg8[%get3A_13, %get3A_14] : memref<256x16xf32, #tpu.memory_space<vmem>>, vector<256x16xf32>
    %get3A_16 = arith.constant 0 : index
    %get3A_17 = arith.constant 0 : index
    %get3A_18 = vector.load %arg9[%get3A_16, %get3A_17] : memref<1x1xf32, #tpu.memory_space<vmem>>, vector<1x1xf32>
    %get3A_19 = vector.extract %get3A_18[0, 0] : f32 from vector<1x1xf32>
    %get3A_20 = arith.constant 0 : index
    %get3A_21 = arith.constant 0 : index
    %get3A_22 = vector.load %arg1[%get3A_20, %get3A_21] : memref<8192x128xf32, #tpu.memory_space<vmem>>, vector<2048x64xf32>
    %get3A_23 = arith.constant 0 : index
    %get3A_24 = arith.constant 0 : index
    %get3A_25 = vector.load %arg2[%get3A_23, %get3A_24] : memref<8192x3xf32, #tpu.memory_space<vmem>>, vector<2048x3xf32>
    %concatenate3A = tpu.concatenate %get3A_22, %get3A_25 in 1 : vector<2048x64xf32>, vector<2048x3xf32> -> vector<2048x67xf32>
    %dot_general3A = arith.constant dense<0.000000e+00> : vector<2048x256xf32>
    %dot_general3A_26 = tpu.matmul %concatenate3A, %get3A_9, %dot_general3A {dimension_numbers = #tpu.dot_dimension_numbers<[1], [0], [0], [1], [0, 0, 1, 1], [], []>, transpose_lhs_hint = false} : vector<2048x67xf32>, vector<67x256xf32>, vector<2048x256xf32> -> vector<2048x256xf32>
    %broadcast_in_dim3A = vector.shape_cast %get3A_2 : vector<256xf32> to vector<1x256xf32>
    %add3A = vector.broadcast %broadcast_in_dim3A : vector<1x256xf32> to vector<2048x256xf32>
    %add3A_27 = arith.addf %dot_general3A_26, %add3A : vector<2048x256xf32>
    %tanh3A = math.tanh %add3A_27 : vector<2048x256xf32>
    %dot_general3A_28 = arith.constant dense<0.000000e+00> : vector<2048x256xf32>
    %dot_general3A_29 = tpu.matmul %tanh3A, %get3A_12, %dot_general3A_28 {dimension_numbers = #tpu.dot_dimension_numbers<[1], [0], [0], [1], [0, 0, 1, 1], [], []>, transpose_lhs_hint = false} : vector<2048x256xf32>, vector<256x256xf32>, vector<2048x256xf32> -> vector<2048x256xf32>
    %broadcast_in_dim3A_30 = vector.shape_cast %get3A_6 : vector<256xf32> to vector<1x256xf32>
    %add3A_31 = vector.broadcast %broadcast_in_dim3A_30 : vector<1x256xf32> to vector<2048x256xf32>
    %add3A_32 = arith.addf %dot_general3A_29, %add3A_31 : vector<2048x256xf32>
    %tanh3A_33 = math.tanh %add3A_32 : vector<2048x256xf32>
    %dot_general3A_34 = arith.constant dense<0.000000e+00> : vector<2048x16xf32>
    %dot_general3A_35 = tpu.matmul %tanh3A_33, %get3A_15, %dot_general3A_34 {dimension_numbers = #tpu.dot_dimension_numbers<[1], [0], [0], [1], [0, 0, 1, 1], [], []>, transpose_lhs_hint = false} : vector<2048x256xf32>, vector<256x16xf32>, vector<2048x16xf32> -> vector<2048x16xf32>
    %add3A_36 = vector.broadcast %get3A_19 : f32 to vector<2048x16xf32>
    %add3A_37 = arith.addf %dot_general3A_35, %add3A_36 : vector<2048x16xf32>
    %get3A_38 = arith.constant 0 : index
    %get3A_39 = arith.constant 0 : index
    %get3A_40 = arith.constant 0 : index
    %get3A_41 = vector.load %arg3[%get3A_38, %get3A_39, %get3A_40] : memref<1x1x8192xi32, #tpu.memory_space<vmem>>, vector<1x1x2048xi32>
    %get3A_42 = vector.shape_cast %get3A_41 : vector<1x1x2048xi32> to vector<2048xi32>
    %iota3A = tpu.iota {dimensions = array<i32: 1>} : vector<2048x16xi32>
    %broadcast_in_dim3A_43 = vector.shape_cast %get3A_42 : vector<2048xi32> to vector<2048x1xi32>
    %eq3A = vector.broadcast %broadcast_in_dim3A_43 : vector<2048x1xi32> to vector<2048x16xi32>
    %eq3A_44 = arith.cmpi eq, %iota3A, %eq3A : vector<2048x16xi32>
    %convert_element_type3A = arith.extui %eq3A_44 : vector<2048x16xi1> to vector<2048x16xi32>
    %convert_element_type3A_45 = arith.sitofp %convert_element_type3A : vector<2048x16xi32> to vector<2048x16xf32>
    %mul3A = arith.mulf %convert_element_type3A_45, %add3A_37 : vector<2048x16xf32>
    %reduce_sum3A = arith.constant dense<0.000000e+00> : vector<16xf32>
    %reduce_sum3A_46 = vector.multi_reduction <add>, %mul3A, %reduce_sum3A [0] : vector<2048x16xf32> to vector<16xf32>
    %broadcast_in_dim3A_47 = vector.shape_cast %reduce_sum3A_46 : vector<16xf32> to vector<1x16xf32>
    %get3A_48 = arith.constant 2048 : index
    %get3A_49 = arith.constant 0 : index
    %get3A_50 = vector.load %arg1[%get3A_48, %get3A_49] : memref<8192x128xf32, #tpu.memory_space<vmem>>, vector<2048x64xf32>
    %get3A_51 = arith.constant 2048 : index
    %get3A_52 = arith.constant 0 : index
    %get3A_53 = vector.load %arg2[%get3A_51, %get3A_52] : memref<8192x3xf32, #tpu.memory_space<vmem>>, vector<2048x3xf32>
    %concatenate3A_54 = tpu.concatenate %get3A_50, %get3A_53 in 1 : vector<2048x64xf32>, vector<2048x3xf32> -> vector<2048x67xf32>
    %dot_general3A_55 = arith.constant dense<0.000000e+00> : vector<2048x256xf32>
    %dot_general3A_56 = tpu.matmul %concatenate3A_54, %get3A_9, %dot_general3A_55 {dimension_numbers = #tpu.dot_dimension_numbers<[1], [0], [0], [1], [0, 0, 1, 1], [], []>, transpose_lhs_hint = false} : vector<2048x67xf32>, vector<67x256xf32>, vector<2048x256xf32> -> vector<2048x256xf32>
    %broadcast_in_dim3A_57 = vector.shape_cast %get3A_2 : vector<256xf32> to vector<1x256xf32>
    %add3A_58 = vector.broadcast %broadcast_in_dim3A_57 : vector<1x256xf32> to vector<2048x256xf32>
    %add3A_59 = arith.addf %dot_general3A_56, %add3A_58 : vector<2048x256xf32>
    %tanh3A_60 = math.tanh %add3A_59 : vector<2048x256xf32>
    %dot_general3A_61 = arith.constant dense<0.000000e+00> : vector<2048x256xf32>
    %dot_general3A_62 = tpu.matmul %tanh3A_60, %get3A_12, %dot_general3A_61 {dimension_numbers = #tpu.dot_dimension_numbers<[1], [0], [0], [1], [0, 0, 1, 1], [], []>, transpose_lhs_hint = false} : vector<2048x256xf32>, vector<256x256xf32>, vector<2048x256xf32> -> vector<2048x256xf32>
    %broadcast_in_dim3A_63 = vector.shape_cast %get3A_6 : vector<256xf32> to vector<1x256xf32>
    %add3A_64 = vector.broadcast %broadcast_in_dim3A_63 : vector<1x256xf32> to vector<2048x256xf32>
    %add3A_65 = arith.addf %dot_general3A_62, %add3A_64 : vector<2048x256xf32>
    %tanh3A_66 = math.tanh %add3A_65 : vector<2048x256xf32>
    %dot_general3A_67 = arith.constant dense<0.000000e+00> : vector<2048x16xf32>
    %dot_general3A_68 = tpu.matmul %tanh3A_66, %get3A_15, %dot_general3A_67 {dimension_numbers = #tpu.dot_dimension_numbers<[1], [0], [0], [1], [0, 0, 1, 1], [], []>, transpose_lhs_hint = false} : vector<2048x256xf32>, vector<256x16xf32>, vector<2048x16xf32> -> vector<2048x16xf32>
    %add3A_69 = vector.broadcast %get3A_19 : f32 to vector<2048x16xf32>
    %add3A_70 = arith.addf %dot_general3A_68, %add3A_69 : vector<2048x16xf32>
    %get3A_71 = arith.constant 0 : index
    %get3A_72 = arith.constant 0 : index
    %get3A_73 = arith.constant 2048 : index
    %get3A_74 = vector.load %arg3[%get3A_71, %get3A_72, %get3A_73] : memref<1x1x8192xi32, #tpu.memory_space<vmem>>, vector<1x1x2048xi32>
    %get3A_75 = vector.shape_cast %get3A_74 : vector<1x1x2048xi32> to vector<2048xi32>
    %iota3A_76 = tpu.iota {dimensions = array<i32: 1>} : vector<2048x16xi32>
    %broadcast_in_dim3A_77 = vector.shape_cast %get3A_75 : vector<2048xi32> to vector<2048x1xi32>
    %eq3A_78 = vector.broadcast %broadcast_in_dim3A_77 : vector<2048x1xi32> to vector<2048x16xi32>
    %eq3A_79 = arith.cmpi eq, %iota3A_76, %eq3A_78 : vector<2048x16xi32>
    %convert_element_type3A_80 = arith.extui %eq3A_79 : vector<2048x16xi1> to vector<2048x16xi32>
    %convert_element_type3A_81 = arith.sitofp %convert_element_type3A_80 : vector<2048x16xi32> to vector<2048x16xf32>
    %mul3A_82 = arith.mulf %convert_element_type3A_81, %add3A_70 : vector<2048x16xf32>
    %reduce_sum3A_83 = arith.constant dense<0.000000e+00> : vector<16xf32>
    %reduce_sum3A_84 = vector.multi_reduction <add>, %mul3A_82, %reduce_sum3A_83 [0] : vector<2048x16xf32> to vector<16xf32>
    %broadcast_in_dim3A_85 = vector.shape_cast %reduce_sum3A_84 : vector<16xf32> to vector<1x16xf32>
    %get3A_86 = arith.constant 4096 : index
    %get3A_87 = arith.constant 0 : index
    %get3A_88 = vector.load %arg1[%get3A_86, %get3A_87] : memref<8192x128xf32, #tpu.memory_space<vmem>>, vector<2048x64xf32>
    %get3A_89 = arith.constant 4096 : index
    %get3A_90 = arith.constant 0 : index
    %get3A_91 = vector.load %arg2[%get3A_89, %get3A_90] : memref<8192x3xf32, #tpu.memory_space<vmem>>, vector<2048x3xf32>
    %concatenate3A_92 = tpu.concatenate %get3A_88, %get3A_91 in 1 : vector<2048x64xf32>, vector<2048x3xf32> -> vector<2048x67xf32>
    %dot_general3A_93 = arith.constant dense<0.000000e+00> : vector<2048x256xf32>
    %dot_general3A_94 = tpu.matmul %concatenate3A_92, %get3A_9, %dot_general3A_93 {dimension_numbers = #tpu.dot_dimension_numbers<[1], [0], [0], [1], [0, 0, 1, 1], [], []>, transpose_lhs_hint = false} : vector<2048x67xf32>, vector<67x256xf32>, vector<2048x256xf32> -> vector<2048x256xf32>
    %broadcast_in_dim3A_95 = vector.shape_cast %get3A_2 : vector<256xf32> to vector<1x256xf32>
    %add3A_96 = vector.broadcast %broadcast_in_dim3A_95 : vector<1x256xf32> to vector<2048x256xf32>
    %add3A_97 = arith.addf %dot_general3A_94, %add3A_96 : vector<2048x256xf32>
    %tanh3A_98 = math.tanh %add3A_97 : vector<2048x256xf32>
    %dot_general3A_99 = arith.constant dense<0.000000e+00> : vector<2048x256xf32>
    %dot_general3A_100 = tpu.matmul %tanh3A_98, %get3A_12, %dot_general3A_99 {dimension_numbers = #tpu.dot_dimension_numbers<[1], [0], [0], [1], [0, 0, 1, 1], [], []>, transpose_lhs_hint = false} : vector<2048x256xf32>, vector<256x256xf32>, vector<2048x256xf32> -> vector<2048x256xf32>
    %broadcast_in_dim3A_101 = vector.shape_cast %get3A_6 : vector<256xf32> to vector<1x256xf32>
    %add3A_102 = vector.broadcast %broadcast_in_dim3A_101 : vector<1x256xf32> to vector<2048x256xf32>
    %add3A_103 = arith.addf %dot_general3A_100, %add3A_102 : vector<2048x256xf32>
    %tanh3A_104 = math.tanh %add3A_103 : vector<2048x256xf32>
    %dot_general3A_105 = arith.constant dense<0.000000e+00> : vector<2048x16xf32>
    %dot_general3A_106 = tpu.matmul %tanh3A_104, %get3A_15, %dot_general3A_105 {dimension_numbers = #tpu.dot_dimension_numbers<[1], [0], [0], [1], [0, 0, 1, 1], [], []>, transpose_lhs_hint = false} : vector<2048x256xf32>, vector<256x16xf32>, vector<2048x16xf32> -> vector<2048x16xf32>
    %add3A_107 = vector.broadcast %get3A_19 : f32 to vector<2048x16xf32>
    %add3A_108 = arith.addf %dot_general3A_106, %add3A_107 : vector<2048x16xf32>
    %get3A_109 = arith.constant 0 : index
    %get3A_110 = arith.constant 0 : index
    %get3A_111 = arith.constant 4096 : index
    %get3A_112 = vector.load %arg3[%get3A_109, %get3A_110, %get3A_111] : memref<1x1x8192xi32, #tpu.memory_space<vmem>>, vector<1x1x2048xi32>
    %get3A_113 = vector.shape_cast %get3A_112 : vector<1x1x2048xi32> to vector<2048xi32>
    %iota3A_114 = tpu.iota {dimensions = array<i32: 1>} : vector<2048x16xi32>
    %broadcast_in_dim3A_115 = vector.shape_cast %get3A_113 : vector<2048xi32> to vector<2048x1xi32>
    %eq3A_116 = vector.broadcast %broadcast_in_dim3A_115 : vector<2048x1xi32> to vector<2048x16xi32>
    %eq3A_117 = arith.cmpi eq, %iota3A_114, %eq3A_116 : vector<2048x16xi32>
    %convert_element_type3A_118 = arith.extui %eq3A_117 : vector<2048x16xi1> to vector<2048x16xi32>
    %convert_element_type3A_119 = arith.sitofp %convert_element_type3A_118 : vector<2048x16xi32> to vector<2048x16xf32>
    %mul3A_120 = arith.mulf %convert_element_type3A_119, %add3A_108 : vector<2048x16xf32>
    %reduce_sum3A_121 = arith.constant dense<0.000000e+00> : vector<16xf32>
    %reduce_sum3A_122 = vector.multi_reduction <add>, %mul3A_120, %reduce_sum3A_121 [0] : vector<2048x16xf32> to vector<16xf32>
    %broadcast_in_dim3A_123 = vector.shape_cast %reduce_sum3A_122 : vector<16xf32> to vector<1x16xf32>
    %get3A_124 = arith.constant 6144 : index
    %get3A_125 = arith.constant 0 : index
    %get3A_126 = vector.load %arg1[%get3A_124, %get3A_125] : memref<8192x128xf32, #tpu.memory_space<vmem>>, vector<2048x64xf32>
    %get3A_127 = arith.constant 6144 : index
    %get3A_128 = arith.constant 0 : index
    %get3A_129 = vector.load %arg2[%get3A_127, %get3A_128] : memref<8192x3xf32, #tpu.memory_space<vmem>>, vector<2048x3xf32>
    %concatenate3A_130 = tpu.concatenate %get3A_126, %get3A_129 in 1 : vector<2048x64xf32>, vector<2048x3xf32> -> vector<2048x67xf32>
    %dot_general3A_131 = arith.constant dense<0.000000e+00> : vector<2048x256xf32>
    %dot_general3A_132 = tpu.matmul %concatenate3A_130, %get3A_9, %dot_general3A_131 {dimension_numbers = #tpu.dot_dimension_numbers<[1], [0], [0], [1], [0, 0, 1, 1], [], []>, transpose_lhs_hint = false} : vector<2048x67xf32>, vector<67x256xf32>, vector<2048x256xf32> -> vector<2048x256xf32>
    %broadcast_in_dim3A_133 = vector.shape_cast %get3A_2 : vector<256xf32> to vector<1x256xf32>
    %add3A_134 = vector.broadcast %broadcast_in_dim3A_133 : vector<1x256xf32> to vector<2048x256xf32>
    %add3A_135 = arith.addf %dot_general3A_132, %add3A_134 : vector<2048x256xf32>
    %tanh3A_136 = math.tanh %add3A_135 : vector<2048x256xf32>
    %dot_general3A_137 = arith.constant dense<0.000000e+00> : vector<2048x256xf32>
    %dot_general3A_138 = tpu.matmul %tanh3A_136, %get3A_12, %dot_general3A_137 {dimension_numbers = #tpu.dot_dimension_numbers<[1], [0], [0], [1], [0, 0, 1, 1], [], []>, transpose_lhs_hint = false} : vector<2048x256xf32>, vector<256x256xf32>, vector<2048x256xf32> -> vector<2048x256xf32>
    %broadcast_in_dim3A_139 = vector.shape_cast %get3A_6 : vector<256xf32> to vector<1x256xf32>
    %add3A_140 = vector.broadcast %broadcast_in_dim3A_139 : vector<1x256xf32> to vector<2048x256xf32>
    %add3A_141 = arith.addf %dot_general3A_138, %add3A_140 : vector<2048x256xf32>
    %tanh3A_142 = math.tanh %add3A_141 : vector<2048x256xf32>
    %dot_general3A_143 = arith.constant dense<0.000000e+00> : vector<2048x16xf32>
    %dot_general3A_144 = tpu.matmul %tanh3A_142, %get3A_15, %dot_general3A_143 {dimension_numbers = #tpu.dot_dimension_numbers<[1], [0], [0], [1], [0, 0, 1, 1], [], []>, transpose_lhs_hint = false} : vector<2048x256xf32>, vector<256x16xf32>, vector<2048x16xf32> -> vector<2048x16xf32>
    %add3A_145 = vector.broadcast %get3A_19 : f32 to vector<2048x16xf32>
    %add3A_146 = arith.addf %dot_general3A_144, %add3A_145 : vector<2048x16xf32>
    %get3A_147 = arith.constant 0 : index
    %get3A_148 = arith.constant 0 : index
    %get3A_149 = arith.constant 6144 : index
    %get3A_150 = vector.load %arg3[%get3A_147, %get3A_148, %get3A_149] : memref<1x1x8192xi32, #tpu.memory_space<vmem>>, vector<1x1x2048xi32>
    %get3A_151 = vector.shape_cast %get3A_150 : vector<1x1x2048xi32> to vector<2048xi32>
    %iota3A_152 = tpu.iota {dimensions = array<i32: 1>} : vector<2048x16xi32>
    %broadcast_in_dim3A_153 = vector.shape_cast %get3A_151 : vector<2048xi32> to vector<2048x1xi32>
    %eq3A_154 = vector.broadcast %broadcast_in_dim3A_153 : vector<2048x1xi32> to vector<2048x16xi32>
    %eq3A_155 = arith.cmpi eq, %iota3A_152, %eq3A_154 : vector<2048x16xi32>
    %convert_element_type3A_156 = arith.extui %eq3A_155 : vector<2048x16xi1> to vector<2048x16xi32>
    %convert_element_type3A_157 = arith.sitofp %convert_element_type3A_156 : vector<2048x16xi32> to vector<2048x16xf32>
    %mul3A_158 = arith.mulf %convert_element_type3A_157, %add3A_146 : vector<2048x16xf32>
    %reduce_sum3A_159 = arith.constant dense<0.000000e+00> : vector<16xf32>
    %reduce_sum3A_160 = vector.multi_reduction <add>, %mul3A_158, %reduce_sum3A_159 [0] : vector<2048x16xf32> to vector<16xf32>
    %broadcast_in_dim3A_161 = vector.shape_cast %reduce_sum3A_160 : vector<16xf32> to vector<1x16xf32>
    %add3A_162 = arith.addf %broadcast_in_dim3A_47, %broadcast_in_dim3A_85 : vector<1x16xf32>
    %add3A_163 = arith.addf %add3A_162, %broadcast_in_dim3A_123 : vector<1x16xf32>
    %add3A_164 = arith.addf %add3A_163, %broadcast_in_dim3A_161 : vector<1x16xf32>
    %eq3A_165 = arith.constant 0 : i32
    %eq3A_166 = arith.cmpi eq, %arg0, %eq3A_165 : i32
    %convert_element_type3A_167 = arith.extui %eq3A_166 : i1 to i32
    %cond3A = arith.constant 0 : i32
    %cond3A_168 = arith.cmpi ne, %convert_element_type3A_167, %cond3A : i32
    scf.if %cond3A_168 {
      %swap3A = arith.constant 0 : index
      %swap3A_173 = arith.constant 0 : index
      %swap3A_174 = vector.load %arg10[%swap3A, %swap3A_173] : memref<1x16xf32, #tpu.memory_space<vmem>>, vector<1x16xf32>
      tpu.vector_store %arg10[%swap3A, %swap3A_173], %add3A_164 {strides = array<i32>} : memref<1x16xf32, #tpu.memory_space<vmem>>, vector<1x16xf32>,
    } else {
    }
    %ne3A = arith.constant 0 : i32
    %ne3A_169 = arith.cmpi ne, %arg0, %ne3A : i32
    %convert_element_type3A_170 = arith.extui %ne3A_169 : i1 to i32
    %cond3A_171 = arith.constant 0 : i32
    %cond3A_172 = arith.cmpi ne, %convert_element_type3A_170, %cond3A_171 : i32
    scf.if %cond3A_172 {
      %get3A_173 = arith.constant 0 : index
      %get3A_174 = arith.constant 0 : index
      %get3A_175 = vector.load %arg10[%get3A_173, %get3A_174] : memref<1x16xf32, #tpu.memory_space<vmem>>, vector<1x16xf32>
      %add3A_176 = arith.addf %get3A_175, %add3A_164 : vector<1x16xf32>
      %swap3A = arith.constant 0 : index
      %swap3A_177 = arith.constant 0 : index
      %swap3A_178 = vector.load %arg10[%swap3A, %swap3A_177] : memref<1x16xf32, #tpu.memory_space<vmem>>, vector<1x16xf32>
      tpu.vector_store %arg10[%swap3A, %swap3A_177], %add3A_176 {strides = array<i32>} : memref<1x16xf32, #tpu.memory_space<vmem>>, vector<1x16xf32>,
    } else {
    }
    return
  }
  func.func @transform_0(%arg0: i32) -> (i32, i32) {
    %c0_i32 = arith.constant 0 : i32
    %c0_i32_0 = arith.constant 0 : i32
    return %arg0, %c0_i32 : i32, i32
  }
  func.func @transform_1(%arg0: i32) -> (i32, i32) {
    %c0_i32 = arith.constant 0 : i32
    %c0_i32_0 = arith.constant 0 : i32
    return %arg0, %c0_i32 : i32, i32
  }
  func.func @transform_2(%arg0: i32) -> (i32, i32, i32) {
    %c0_i32 = arith.constant 0 : i32
    %c0_i32_0 = arith.constant 0 : i32
    %c0_i32_1 = arith.constant 0 : i32
    return %arg0, %c0_i32, %c0_i32_0 : i32, i32, i32
  }
  func.func @transform_3(%arg0: i32) -> (i32, i32) {
    %c0_i32 = arith.constant 0 : i32
    %c0_i32_0 = arith.constant 0 : i32
    %c0_i32_1 = arith.constant 0 : i32
    return %c0_i32, %c0_i32_0 : i32, i32
  }
  func.func @transform_4(%arg0: i32) -> (i32, i32) {
    %c0_i32 = arith.constant 0 : i32
    %c0_i32_0 = arith.constant 0 : i32
    %c0_i32_1 = arith.constant 0 : i32
    return %c0_i32, %c0_i32_0 : i32, i32
  }
  func.func @transform_5(%arg0: i32) -> (i32, i32) {
    %c0_i32 = arith.constant 0 : i32
    %c0_i32_0 = arith.constant 0 : i32
    %c0_i32_1 = arith.constant 0 : i32
    return %c0_i32, %c0_i32_0 : i32, i32
  }
  func.func @transform_6(%arg0: i32) -> (i32, i32) {
    %c0_i32 = arith.constant 0 : i32
    %c0_i32_0 = arith.constant 0 : i32
    %c0_i32_1 = arith.constant 0 : i32
    return %c0_i32, %c0_i32_0 : i32, i32
  }
  func.func @transform_7(%arg0: i32) -> (i32, i32) {
    %c0_i32 = arith.constant 0 : i32
    %c0_i32_0 = arith.constant 0 : i32
    %c0_i32_1 = arith.constant 0 : i32
    return %c0_i32, %c0_i32_0 : i32, i32
  }
  func.func @transform_8(%arg0: i32) -> (i32, i32) {
    %c0_i32 = arith.constant 0 : i32
    %c0_i32_0 = arith.constant 0 : i32
    %c0_i32_1 = arith.constant 0 : i32
    return %c0_i32, %c0_i32_0 : i32, i32
  }
  func.func @transform_9(%arg0: i32) -> (i32, i32) {
    %c0_i32 = arith.constant 0 : i32
    %c0_i32_0 = arith.constant 0 : i32
    %c0_i32_1 = arith.constant 0 : i32
    return %c0_i32, %c0_i32_0 : i32, i32
  }
}

</mosaic_0001>

<sc_bundles>
// kernel: kernel.4.cloned.1.call-start
scs
__scs_entry_jumppad:
0x0: {  	(pc) =	sbr.rel $0x88, $3  }
0x1: {  	(tag) =	ssettag $0x0;
	lr =	simm.s32 $0x1  }
0x2: {  	[smem:$0x3F97] =	sst lr;
	_ =	strace $0xD0000000  }
0x3: {  	_ = 	snop  }
0x4: {  	_ = 	snop  }
0x5: {  	_ = 	snop  }
0x6: {  	_ = 	snop  }
0x7: {  	_ = 	snop  }
__scs_overlays_trampoline_lowered:
0x8: {  	[smem:$0x3FA6] =	sst s0  }
0x9: {  	[smem:$0x3FA7] =	sst s1  }
0xa: {  	[smem:$0x3FA8] =	sst s2  }
0xb: {  	[smem:$0x3FA9] =	sst s3  }
0xc: {  	[smem:$0x3FAA] =	sst s4  }
0xd: {  	[smem:$0x3FAB] =	sst s5  }
0xe: {  	[smem:$0x3FAC] =	sst s6  }
0xf: {  	[smem:$0x3FAD] =	sst s7  }
0x10: {  	[smem:$0x3FAE] =	sst s8  }
0x11: {  	[smem:$0x3FAF] =	sst s9;
	s0 =	simm.s32 @!p0 $0x0  }
0x12: {  	s1 =	sld [smem:$0x3F95];
	s0 =	simm.s32 @p0 $0x1  }
0x13: {  	[smem:$0x3FB0] =	sst s0;
	s0 =	simm.s32 @!p1 $0x0  }
0x14: {  	s2 =	sld [smem:$0x3F94];
	s0 =	simm.s32 @p1 $0x1  }
0x15: {  	[smem:$0x3FB1] =	sst s0;
	s0 =	simm.s32 @!p2 $0x0  }
0x16: {  	s3 =	sld [smem:$0x3FDB];
	s0 =	simm.s32 @p2 $0x1  }
0x17: {  	s4 =	simm.s32 $0x1BF5;
	[smem:$0x3FB3] =	sst s0  }
0x18: {  	s0 =	sld [smem:$0x3F96];
	_ =	swait.ge [sflag:s4], $0x0  }
0x19: {  	s7 =	sld [smem:$0x3F97]  }
0x1a: {  	s8 =	sadd.s32 $0xFFFFE003, lr  }
0x1b: {  	s9 =	sadd.s32 $0xFFFFFEF7, lr;
	s5 =	simm.s32 $0xFFFFFFFF;
	p2 =	slt.u32 s8, $0xFFFFF086  }
0x1c: {  	p1 =	slt.u32 s9, $0xF7A;
	s5 =	simm.s32 @!p2 $0x0  }
0x1d: {  	s5 =	simm.s32 @p1 $0x1;
	p0 =	seq.s32 s7, s2  }
0x1e: {  	s7 =	smul.u32 @!p0 $0xF7A, s2;
	p2 =	seq.s32 @!p0 s5, $0x0  }
0x1f: {  	s9 =	smul.u32 $0xF7A, s1;
	s8 =	simm.s32 @!p0 $0x1BF5;
	p2 =	por !p2, p0  }
0x20: {  	[sflag:s8] =	ssyncset.s32 @!p0 $0xFFFFF086;
	s6 =	sadd.s32 @!p0 s3, s7;
	s7 =	simm.s32 @!p0 $0x108  }
0x21: {  	s3 =	sadd.s32 s3, s9;
	s6 =	sadd.s32 @!p0 $0x88, s6;
	s7 =	simm.s32 @p2 $0x1082  }
0x22: {  	[simem:s7], [sflag:s8] =	dma.local @!p0 [hbm:s6], $0xF7A  }
0x23: {  	s9 =	sor.u32 $0xD0000000, s2;
	s6 =	simm.s32 $0x108;
	_ =	swait.ge @!p0 [sflag:s8], $0x0  }
0x24: {  	s3 =	sadd.s32 $0x88, s3;
	s6 =	simm.s32 @!p1 $0x1082;
	[sflag:s4] =	ssyncset.s32 $0xFFFFF086  }
0x25: {  	[simem:s6], [sflag:s4] =	dma.local [hbm:s3], $0xF7A  }
0x26: {  	[smem:$0x3F97] =	sst s1;
	(tag) =	ssettag s2;
	_ =	strace s9  }
0x27: {  	s1 =	sld [smem:$0x3FA7]  }
0x28: {  	s2 =	sld [smem:$0x3FA8]  }
0x29: {  	s4 =	sld [smem:$0x3FAA]  }
0x2a: {  	p0 =	seq.s32 s5, $0x0;
	s5 =	sld [smem:$0x3FAB]  }
0x2b: {  	s6 =	sld [smem:$0x3FAC]  }
0x2c: {  	s7 =	sld [smem:$0x3FAD]  }
0x2d: {  	s3 =	simm.s32 $0x108;
	s8 =	sld [smem:$0x3FAE]  }
0x2e: {  	s3 =	simm.s32 @!p0 $0x1082;
	s9 =	sld [smem:$0x3FAF]  }
0x2f: {  	lr =	sadd.s32 s0, s3;
	s0 =	sld [smem:$0x3FA6]  }
0x30: {  	s3 =	sld [smem:$0x3FA9]  }
0x31: {  	[smem:$0x3FB2] =	sst s10  }
0x32: {  	s10 =	sld [smem:$0x3FB0];
	_ =	sdelay $0x3  }
0x33: {  	p0 =	seq.s32 s10, $0x1;
	s10 =	sld [smem:$0x3FB2];
	_ =	sdelay $0x3  }
0x34: {  	[smem:$0x3FB2] =	sst s10  }
0x35: {  	s10 =	sld [smem:$0x3FB1];
	_ =	sdelay $0x3  }
0x36: {  	p1 =	seq.s32 s10, $0x1;
	s10 =	sld [smem:$0x3FB2];
	_ =	sdelay $0x3  }
0x37: {  	[smem:$0x3FB2] =	sst s10  }
0x38: {  	s10 =	sld [smem:$0x3FB3]  }
0x39: {  	_ = 	snop;
	(pc) =	sbr.ind lr, $3  }
0x3a: {  	_ = 	snop  }
0x3b: {  	_ = 	snop  }
0x3c: {  	p2 =	seq.s32 s10, $0x1;
	s10 =	sld [smem:$0x3FB2]  }
0x3d: {  	_ =	shalt  }
0x3e: {  	_ =	shalt  }
0x3f: {  	_ =	shalt  }
0x40: {  	_ =	shalt  }
0x41: {  	_ =	shalt  }
0x42: {  	_ =	shalt  }
0x43: {  	_ =	shalt  }
0x44: {  	_ =	shalt  }
0x45: {  	_ =	shalt  }
0x46: {  	_ =	shalt  }
0x47: {  	_ =	shalt  }
0x48: {  	_ =	shalt  }
0x49: {  	_ =	shalt  }
0x4a: {  	_ =	shalt  }
0x4b: {  	_ =	shalt  }
0x4c: {  	_ =	shalt  }
0x4d: {  	_ =	shalt  }
0x4e: {  	_ =	shalt  }
0x4f: {  	_ =	shalt  }
0x50: {  	_ =	shalt  }
0x51: {  	_ =	shalt  }
0x52: {  	_ =	shalt  }
0x53: {  	_ =	shalt  }
0x54: {  	_ =	shalt  }
0x55: {  	_ =	shalt  }
0x56: {  	_ =	shalt  }
0x57: {  	_ =	shalt  }
0x58: {  	_ =	shalt  }
0x59: {  	_ =	shalt  }
0x5a: {  	_ =	shalt  }
0x5b: {  	_ =	shalt  }
0x5c: {  	_ =	shalt  }
0x5d: {  	_ =	shalt  }
0x5e: {  	_ =	shalt  }
0x5f: {  	_ =	shalt  }
0x60: {  	_ =	shalt  }
0x61: {  	_ =	shalt  }
0x62: {  	_ =	shalt  }
0x63: {  	_ =	shalt  }
0x64: {  	_ =	shalt  }
0x65: {  	_ =	shalt  }
0x66: {  	_ =	shalt  }
0x67: {  	_ =	shalt  }
0x68: {  	_ =	shalt  }
0x69: {  	_ =	shalt  }
0x6a: {  	_ =	shalt  }
0x6b: {  	_ =	shalt  }
0x6c: {  	_ =	shalt  }
0x6d: {  	_ =	shalt  }
0x6e: {  	_ =	shalt  }
0x6f: {  	_ =	shalt  }
0x70: {  	_ =	shalt  }
0x71: {  	_ =	shalt  }
0x72: {  	_ =	shalt  }
0x73: {  	_ =	shalt  }
0x74: {  	_ =	shalt  }
0x75: {  	_ =	shalt  }
0x76: {  	_ =	shalt  }
0x77: {  	_ =	shalt  }
0x78: {  	_ =	shalt  }
0x79: {  	_ =	shalt  }
0x7a: {  	_ =	shalt  }
0x7b: {  	_ =	shalt  }
0x7c: {  	_ =	shalt  }
0x7d: {  	_ =	shalt  }
0x7e: {  	_ =	shalt  }
0x7f: {  	_ =	shalt  }
0x80: {  	_ =	shalt  }
0x81: {  	_ =	shalt  }
0x82: {  	_ =	shalt  }
0x83: {  	_ =	shalt  }
0x84: {  	_ =	shalt  }
0x85: {  	_ =	shalt  }
0x86: {  	_ =	shalt  }
0x87: {  	_ =	shalt  }
.Lfunc_end0:
.L_simem_size_0:
called_computation_lowered:
.L_overlay_start_0:
0x88: {  	s2 =	sld [smem:$0x3FD9]  }
0x89: {  	s3 =	sld [smem:$0x3FFE];
	_ =	sdelay $0x1  }
0x8a: {  	s1 =	srdreg.scid  }
0x8b: {  	s0 =	sand.u32 $0x1, s1  }
0x8c: {  	s17 =	sshll.u32 s0, $0xA;
	s2 =	sadd.s32 s3, s2  }
0x8d: {  	s2 =	sadd.s32 s2, s17  }
0x8e: {  	[smem:$0x3FBE] =	sst s2  }
0x8f: {  	_ = 	snop  }
0x90: {  	s2 =	sld [smem:$0x3FC8];
	(tm) =	ssettm $0x1  }
0x91: {  	s18 =	sld [smem:$0x3FFB];
	_ =	sdelay $0x3  }
0x92: {  	_ =	strace s18  }
0x93: {  	s3 =	sld [smem:$0x3FFC];
	_ =	sdelay $0x3  }
0x94: {  	_ =	strace s3  }
0x95: {  	s3 =	sld [smem:$0x3FFD];
	_ =	sdelay $0x3  }
0x96: {  	_ =	strace s3  }
0x97: {  	_ =	strace $0x8FFFFFFF  }
0x98: {  	s19 =	sld [smem:$0x3FDB];
	_ =	sdelay $0x1  }
0x99: {  	s4 =	simm.s32 $_scs_section_size  }
0x9a: {  	s5 =	simm.s32 $_size__tile_overlayer_lowered;
	s6 =	simm.s32 $_tile_overlayer_lowered  }
0x9b: {  	s22 =	simm.s32 $0x1BFF;
	s21 =	sshll.u32 s6, $0x1;
	s3 =	sadd.s32 s4, s19  }
0x9c: {  	s7 =	simm.s32 $0x0;
	s20 =	sshll.u32 s5, $0x1;
	s5 =	sadd.s32 s21, s3  }
0x9d: {  	[timem:s7], [sflag:s22] =	dma.local [hbm:s5], s20  }
0x9e: {  	_ =	swait.ge [sflag:s22], s20  }
0x9f: {  	s4 =	ssub.s32 $0x0, s20;
	[sflag:s22] =	ssyncset.done $0x0  }
0xa0: {  	[sflag:s22] =	ssyncadd.s32 s4;
	_ =	sdelay $0x1  }
0xa1: {  	s23 =	simm.s32 $0x1B8B  }
0xa2: {  	_ =	swait.ge [sflag:s23], $0x1  }
0xa3: {  	[sflag:s23] =	ssyncset.done $0x0  }
0xa4: {  	s25 =	simm.s32 $0x1B8E;
	s24 =	sld [smem:$0x3FFE];
	[sflag:s23] =	ssyncadd.s32 $0xFFFFFFFF  }
0xa5: {  	s26 =	simm.s32 $execute0_lowered;
	[smem:$0x3FD2] =	sst s25  }
0xa6: {  	s5 =	sshll.u32 s26, $0x1;
	_ =	strace $0x80000046;
	[dreg:$0x1] =	wrdreg $0xFFFFFFFF  }
0xa7: {  	s28 =	simm.s32 $_size_execute0_lowered;
	s3 =	sadd.s32 s3, s5;
	[dreg:$0x0] =	wrdreg $0x0  }
0xa8: {  	s5 =	sshll.u32 s28, $0x1;
	[dreg:$0x2] =	wrdreg s3  }
0xa9: {  	[dreg:$0x3] =	wrdreg s5  }
0xaa: {  	[dreg:$0x4] =	wrdreg $0xC0  }
0xab: {  	_ =	task [dreg:s7], $0x5FFFF  }
0xac: {  	[dreg:$0x1] =	wrdreg $0xFFFFFFFF  }
0xad: {  	[dreg:$0x0] =	wrdreg $0x60  }
0xae: {  	[dreg:$0x2] =	wrdreg s24  }
0xaf: {  	[dreg:$0x3] =	wrdreg s2  }
0xb0: {  	[dreg:$0x4] =	wrdreg $0x9  }
0xb1: {  	_ =	task.clear_ibuf [dreg:s7], $0x5FFFF;
	_ =	strace $0x90000046  }
0xb2: {  	s29 =	simm.s32 $0x9;
	_ =	strace $0x80000048  }
0xb3: {  	_ =	swait.ge [sflag:s29], $0x1  }
0xb4: {  	[sflag:s29] =	ssyncadd.s32 $0xFFFFFFFF  }
0xb5: {  	_ =	strace $0x90000048  }
0xb6: {  	_ =	sfence  }
0xb7: {  	s30 =	sld [smem:$0x0];
	_ =	sdelay $0x2  }
0xb8: {  	s31 =	sshll.u32 s1, $0xD;
	s1 =	sshrl.u32 s1, $0x2  }
0xb9: {  	s3 =	sand.u32 $0x4000, s31;
	s1 =	sadd.s32 s1, s30  }
0xba: {  	s0 =	sor.u32 s3, s0;
	s1 =	sshll.u32 s1, $0x11  }
0xbb: {  	s0 =	sor.u32 s1, s0  }
0xbc: {  	s0 =	sadd.s32 $0x8F2B, s0  }
0xbd: {  	[sflag:s0] =	ssyncadd.remote.s32 $0x1  }
0xbe: {  	_ =	sfence.sel $0xFFFF  }
0xbf: {  	[dreg:$0x0] =	wrdreg $0xFFFFFFFF;
	(pc) =	sbr.abs _section_cstart, $3  }
0xc0: {  	[dreg:$0x1] =	wrdreg $0xFFFFFFFF  }
0xc1: {  	_ =	task.clear_ibuf [dreg:s7], $0x2FFFF;
	_ =	strace $0x9FFFFFFF  }
0xc2: {  	(tm) =	ssettm $0x7FFFFFFF  }
0xc3: {  	_ =	shalt  }
tec
execute0_lowered:
.L_overlay_start_1:
0x0: {  	(tag) =	ssettag $0x1  }
0x1: {  	s1 =	srdreg.scid  }
0x2: {  	s8 =	rddreg [dreg:$0x0];
	s0 =	stileid.u32  }
0x3: {  	s3 =	rddreg [dreg:$0x1];
	s2 =	simm.s32 $0x0;
	s6 =	sand.u32 $0x1, s1  }
0x4: {  	s4 =	sshll.u32 s0, $0xA;
	s1 =	rddreg [dreg:$0x2];
	s5 =	sshll.u32 s6, $0x9  }
0x5: {  	s7 =	simm.s32 $0x1;
	[smem:$0x7FF] =	sst s2;
	s9 =	sor.u32 s5, s4  }
0x6: {  	_ =	strace $0x80000047;
	s10 =	ssub.s32 $0x2, s6;
	s4 =	sshrl.u32 s9, $0x3  }
0x7: {  	s6 =	simm.s32 $0x200;
	s4 =	sadd.s32 s3, s4;
	s3 =	simm.s32 $0x2  }
0x8: {  	[tilespmem:s2], [sflag:$0x2] =	stream.linear.gather [hbm4b:s4+s2], $0x200, $0x38;
	[tilespmem:$0x10200] =	vst v63  }
0x9: {  	s5 =	sadd.s32 $0x1400, s8;
	s11 =	sshrl.u32 s10, $0x1;
	_ =	swait.ge [sflag:s3], $0x200  }
0xa: {  	s9 =	sshll.u32 s9, $0x4;
	s31 =	ssub.s32 s10, s11;
	[sflag:s3] =	ssyncset.done $0x0  }
0xb: {  	s8 =	sadd.s32 s9, s8;
	s9 =	smax.u32 s31, $0x1;
	[sflag:s3] =	ssyncadd.s32 $0xFFFFFE00  }
0xc: {  	[tilespmem:s6], [sflag:$0x1] =	stream.indirect.gather [hbm4b:s5+s6], $0x80, s2, s6, $0xb8;
	[tilespmem:$0x10200] =	vst v63  }
0xd: {  	p0 =	sne.s32 s9, $0x1;
	_ =	swait.ge [sflag:s7], $0x10000  }
.Ltmp0:
0xe: {  	[sflag:s7] =	ssyncset.done $0x0;
	(pc) =	sbr.rel @!p0 .LBB2_2-.Ltmp0, $4  }
0xf: {  	s8 =	sadd.s32 $0x1A00, s8;
	[sflag:s7] =	ssyncadd.s32 $0xFFFF0000  }
0x10: {  	[hbm4b:s8+s2] =	stream.linear.scatter [tilespmem:s6], [sflag:$0x2], $0x10000, $0x38;
	[tilespmem:$0x10200] =	vst v63  }
0x11: {  	_ =	swait.ge [sflag:s3], $0x10000  }
0x12: {  	s9 =	sadd.s32 $0xFFFFFFFF, s9;
	[sflag:s3] =	ssyncset.done $0x0  }
.LBB2_1:
0x13: {  	p0 =	sne.s32 s9, $0x1;
	s9 =	sadd.s32 $0xFFFFFFFF, s9;
	[sflag:s3] =	ssyncadd.s32 $0xFFFF0000  }
0x14: {  	[tilespmem:s2], [sflag:$0x2] =	stream.linear.gather [hbm4b:s4+s2], $0x200, $0x38;
	[tilespmem:$0x10200] =	vst v63  }
0x15: {  	_ =	swait.ge [sflag:s3], $0x200  }
0x16: {  	[sflag:s3] =	ssyncset.done $0x0  }
0x17: {  	[sflag:s3] =	ssyncadd.s32 $0xFFFFFE00  }
0x18: {  	[tilespmem:s6], [sflag:$0x1] =	stream.indirect.gather [hbm4b:s5+s6], $0x80, s2, s6, $0xb8;
	[tilespmem:$0x10200] =	vst v63  }
0x19: {  	_ =	swait.ge [sflag:s7], $0x10000  }
.Ltmp1:
0x1a: {  	[sflag:s7] =	ssyncset.done $0x0;
	(pc) =	sbr.rel @p0 .LBB2_1-.Ltmp1, $4  }
0x1b: {  	[sflag:s7] =	ssyncadd.s32 $0xFFFF0000  }
0x1c: {  	[hbm4b:s8+s2] =	stream.linear.scatter [tilespmem:s6], [sflag:$0x2], $0x10000, $0x38;
	[tilespmem:$0x10200] =	vst v63  }
0x1d: {  	_ =	swait.ge [sflag:s3], $0x10000  }
0x1e: {  	[sflag:s3] =	ssyncset.done $0x0  }
.LBB2_2:
0x1f: {  	[sflag:s3] =	ssyncadd.s32 $0xFFFF0000  }
0x20: {  	_ =	sfence.sel $0x180000  }
0x21: {  	[bflag:$0x0] =	sbarrier.arrive $0xFFFF  }
0x22: {  	p0 =	sne.s32 s0, $0x0;
	_ =	strace $0x90000047  }
0x23: {  	s0 =	sadd.s32 @!p0 $0x100000, s1;
	[bflag:$0x2] =	sbarrier.arrive $0xFFFF  }
0x24: {  	[sflag:s0] =	ssyncadd.tile.s32 @!p0 $0x1;
	_ =	shalt  }
.Lfunc_end2:
_tile_overlayer_lowered:
.L_overlay_start_2:
0x25: {  	(tag) =	ssettag $0x2  }
0x26: {  	s0 =	rddreg [dreg:$0x0];
	s2 =	stileid.u32  }
0x27: {  	s1 =	rddreg [dreg:$0x1];
	p0 =	sne.s32 s2, $0x0  }
0x28: {  	s3 =	rddreg [dreg:$0x2];
	[bflag:$0x3] =	sbarrier.arrive $0xFFFF;
	s2 =	simm.s32 @!p0 $0x1C02  }
0x29: {  	[timem:s3], [sflag:s2] =	dma.local @!p0 [hbm:s0], s1  }
0x2a: {  	s0 =	simm.s32 @!p0 $0x2  }
0x2b: {  	_ =	swait.ge @!p0 [sflag:s0], s1  }
0x2c: {  	s1 =	ssub.s32 @!p0 $0x0, s1;
	[sflag:s0] =	ssyncset.done @!p0 $0x0  }
0x2d: {  	[sflag:s0] =	ssyncadd.s32 @!p0 s1  }
0x2e: {  	[bflag:$0x3] =	sbarrier.arrive $0xFFFF  }
0x2f: {  	_ =	shalt  }

</sc_bundles>
